<compile_context>
chip_gen: v7x
topology: tpu7x:2x2x1
jax: 0.10.2.dev20260603
libtpu: 0.0.44.dev20260713+nightly
codegen_flags: <defaults>
</compile_context>

<pallas_src>
import functools

import jax
import jax.numpy as jnp
from jax import lax
from jax.experimental import pallas as pl
from jax.experimental.pallas import tpu as pltpu
from jax.experimental.pallas import tpu_sc as plsc

_B = 8192
_D = 128
_C = 100
_NBINS = 128
_BIN_LEN = 4.0
_EPS = 1e-07

_CHUNK = 1024
_GRID = _B // _CHUNK

_NC = 2
_NS = 16
_NW = _NC * _NS
_RPW = _B // _NW
_LANES = 16


def _lane_iota_f32(n):
    return lax.broadcasted_iota(jnp.int32, (1, n), 1).astype(jnp.float32)


def _lane_cumsum(v):
    lane = lax.broadcasted_iota(jnp.int32, v.shape, 1)
    shift = 1
    while shift < v.shape[1]:
        rolled = pltpu.roll(v, shift, 1)
        v = v + jnp.where(lane >= shift, rolled, 0.0)
        shift *= 2
    return v


def _labels_sc_body(y_hbm, lab_hbm, y_v, lab_v):
    wid = lax.axis_index("s") * _NC + lax.axis_index("c")
    base = wid * _RPW
    lane = lax.iota(jnp.int32, _LANES)

    def group(g, _):
        rbase = (g * _LANES + lane) * _C

        def col(c, carry):
            m, lab = carry
            v = plsc.load_gather(y_v, [rbase + c])
            better = v > m
            m = jnp.where(better, v, m)
            cf = jnp.full((_LANES,), c, jnp.int32).astype(jnp.float32)
            lab = jnp.where(better, cf, lab)
            return m, lab

        m0 = jnp.full((_LANES,), -jnp.inf, jnp.float32)
        l0 = jnp.zeros((_LANES,), jnp.float32)
        _, lab = lax.fori_loop(0, _C, col, (m0, l0))
        lab_v[pl.ds(g * _LANES, _LANES)] = lab
        return 0

    def zgroup(g, _):
        lab_v[pl.ds(g * _LANES, _LANES)] = jnp.zeros((_LANES,), jnp.float32)
        return 0

    lax.fori_loop(0, _RPW // _LANES, zgroup, 0)
    pltpu.sync_copy(lab_v, lab_hbm.at[pl.ds(base, _RPW)])


_labels_sc_built = None


def _labels_sc(Y):
    global _labels_sc_built
    if _labels_sc_built is None:
        _labels_sc_built = pl.kernel(
            _labels_sc_body,
            out_type=jax.ShapeDtypeStruct((_B,), jnp.float32),
            mesh=plsc.VectorSubcoreMesh(
                core_axis_name="c", subcore_axis_name="s",
                num_cores=_NC, num_subcores=_NS),
            scratch_types=[
                pltpu.VMEM((_RPW * _C,), jnp.float32),
                pltpu.VMEM((_RPW,), jnp.float32),
            ],
            compiler_params=pltpu.CompilerParams(needs_layout_passes=False),
        )
    return _labels_sc_built(jnp.reshape(Y, (_B * _C,)))


def _sum_kernel(x_ref, o_ref):
    o_ref[0, 0] = jnp.sum(x_ref[...])


def _sum_tc(x):
    return pl.pallas_call(
        _sum_kernel,
        out_specs=pl.BlockSpec(memory_space=pltpu.SMEM),
        out_shape=jax.ShapeDtypeStruct((1, 1), jnp.float32),
    )(x)


def _dist_hist_kernel(out_blk, q_blk, d_ref, h_out, h_ref):
    i = pl.program_id(0)

    @pl.when(i == 0)
    def _init():
        h_ref[...] = jnp.zeros_like(h_ref)

    diff = out_blk[...] - q_blk[...]
    d = jnp.sum(diff * diff, axis=1, keepdims=True)
    d_ref[...] = d

    centers = 2.0 + _BIN_LEN * _lane_iota_f32(_NBINS)
    delta = 1.0 - jnp.abs(centers - d) * (1.0 / _BIN_LEN)
    delta = jnp.maximum(delta, 0.0)
    h_ref[...] += jnp.sum(delta, axis=0, keepdims=True)

    @pl.when(i == _GRID - 1)
    def _flush():
        h_out[...] = h_ref[...]


def _finish_kernel(d_blk, lab_blk, h_blk, loss_ref, hp_ref, np_ref):
    i = pl.program_id(0)

    @pl.when(i == 0)
    def _init():
        hp_ref[...] = jnp.zeros_like(hp_ref)
        np_ref[0, 0] = 0.0

    l0 = lab_blk[0:1, 0:1]
    eq = (lab_blk[pl.ds(i * _CHUNK, _CHUNK), :] == l0).astype(jnp.float32)
    np_ref[0, 0] += jnp.sum(eq)

    d = d_blk[...]
    centers = 2.0 + _BIN_LEN * _lane_iota_f32(_NBINS)
    delta = 1.0 - jnp.abs(centers - d) * (1.0 / _BIN_LEN)
    delta = jnp.maximum(delta, 0.0)
    hp_ref[...] += jnp.sum(delta * eq, axis=0, keepdims=True)

    @pl.when(i == _GRID - 1)
    def _finish():
        self_hit = jnp.where(
            lax.broadcasted_iota(jnp.int32, (1, _NBINS), 1) == 0, 0.5, 0.0)
        h = h_blk[...] - self_hit
        hp = hp_ref[...] - self_hit
        big_h = _lane_cumsum(h)
        big_hp = _lane_cumsum(hp)
        loss = jnp.sum(hp * big_hp / (big_h + _EPS))
        loss_ref[0, 0] = loss / np_ref[0, 0]


@jax.jit
def _fastap(output, Y):
    q = output[0:1, :]

    labels = _labels_sc(Y)
    return _sum_tc(jnp.reshape(labels, (_B, 1)))[0, 0]

    d, h = pl.pallas_call(
        _dist_hist_kernel,
        grid=(_GRID,),
        in_specs=[
            pl.BlockSpec((_CHUNK, _D), lambda i: (i, 0)),
            pl.BlockSpec((1, _D), lambda i: (0, 0)),
        ],
        out_specs=[
            pl.BlockSpec((_CHUNK, 1), lambda i: (i, 0)),
            pl.BlockSpec((1, _NBINS), lambda i: (0, 0)),
        ],
        out_shape=[
            jax.ShapeDtypeStruct((_B, 1), jnp.float32),
            jax.ShapeDtypeStruct((1, _NBINS), jnp.float32),
        ],
        scratch_shapes=[pltpu.VMEM((1, _NBINS), jnp.float32)],
    )(output, q)

    lab2d = jnp.reshape(labels, (_B, 1))

    loss = pl.pallas_call(
        _finish_kernel,
        grid=(_GRID,),
        in_specs=[
            pl.BlockSpec((_CHUNK, 1), lambda i: (i, 0)),
            pl.BlockSpec((_B, 1), lambda i: (0, 0)),
            pl.BlockSpec((1, _NBINS), lambda i: (0, 0)),
        ],
        out_specs=pl.BlockSpec(memory_space=pltpu.SMEM),
        out_shape=jax.ShapeDtypeStruct((1, 1), jnp.float32),
        scratch_shapes=[
            pltpu.VMEM((1, _NBINS), jnp.float32),
            pltpu.SMEM((1, 1), jnp.float32),
        ],
    )(d, lab2d, h)
    return loss[0, 0]


def kernel(output, pos_output, neg_output, Y):
    return _fastap(output, Y)

# --- scband reference (transcript-rebuilt; emitter-appended) ---
"""Pipeline reference for scband-fast-ap-31301721653821 (READ-ONLY COPY).

The authoritative reference and input builder live on the scoring server;
editing this copy changes nothing except your own understanding.
"""

import jax, jax.numpy as jnp
import numpy as np

BIN_SIZE = 128
START_BIN = 0.0
END_BIN = 512.0
BIN_LENGTH = (END_BIN - START_BIN) / BIN_SIZE
BINS = jnp.asarray(np.arange(START_BIN + BIN_LENGTH / 2, END_BIN, BIN_LENGTH), dtype=jnp.float32)
EPS = 1e-07


def setup_inputs(seed: int = 0) -> dict:
    key = jax.random.key(seed)
    k1, k2, k3, k4 = jax.random.split(key, 4)
    B, D, C = 8192, 128, 100
    output = jax.random.normal(k1, (B, D), dtype=jnp.float32)
    pos_output = jax.random.normal(k2, (B, D), dtype=jnp.float32)
    neg_output = jax.random.normal(k3, (B, D), dtype=jnp.float32)
    Y = jax.random.normal(k4, (B, C), dtype=jnp.float32)
    return {"output": output, "pos_output": pos_output, "neg_output": neg_output, "Y": Y}


def _query_bin_counter(query, retrievals, weights=None):
    # squared euclidean distance of each retrieval to the query
    d = jnp.sum((retrievals - query[None, :]) ** 2, axis=1)  # [N]
    # soft (triangular-kernel) histogram assignment
    delta = 1.0 - jnp.abs(BINS[None, :] - d[:, None]) / BIN_LENGTH  # [N, BIN_SIZE]
    delta = jnp.where(delta < 0.0, 0.0, delta)
    if weights is not None:
        # weights=1 for positive retrievals, 0 otherwise; identical to
        # torch's boolean-mask gather of pos_retrievals followed by sum over rows
        delta = delta * weights[:, None]
    h = jnp.sum(delta, axis=0)  # [BIN_SIZE]
    H = jnp.cumsum(h, axis=0)
    return h, H


def reference(output, pos_output, neg_output, Y):
    # labels / neighbor matrix
    labels = jnp.argmax(Y, axis=1)  # [B]
    neighbors = labels[None, :] == labels[:, None]  # [B, B]; neighbors[i, j] = labels[j] == labels[i]
    # the torch loop returns inside the first iteration (ix == 0)
    ix = 0
    query = output[ix, :]
    retrievals = output[ix + 1:, :]  # cat(output[:0], output[1:])
    query_neighbors = neighbors[ix, ix + 1:]  # cat(qn[:0], qn[1:])
    h, H = _query_bin_counter(query, retrievals)
    h_plus, H_plus = _query_bin_counter(query, retrievals, weights=query_neighbors.astype(jnp.float32))
    query_n_plus = jnp.sum(neighbors[ix, :].astype(jnp.float32))
    loss = h_plus * H_plus / (H + EPS)
    loss = jnp.sum(loss, axis=0)
    loss = loss / query_n_plus
    return loss

if __name__ == "__main__":
    import jax
    _d = setup_inputs()
    print(jax.jit(kernel)(*tuple(_d.values())))

</pallas_src>

<mosaic_0001>
#map = affine_map<(d0, d1) -> (0)>
module attributes {stable_mosaic.version = 14 : i64} {
  func.func @_labels_sc_body(%arg0: i32, %arg1: i32, %arg2: memref<819200xf32, #tpu.memory_space<hbm>>, %arg3: memref<8192xf32, #tpu.memory_space<hbm>>, %arg4: memref<25600xf32, #tpu.memory_space<vmem>>, %arg5: memref<256xf32, #tpu.memory_space<vmem>>) attributes {dimension_semantics = [#tpu.dimension_semantics<core_parallel>, #tpu.dimension_semantics<subcore_parallel>], iteration_bounds = array<i64: 2, 16>, scalar_prefetch = 0 : i64, scratch_operands = 2 : i64, tpu.core_type = #tpu.core_type<sc_vector_subcore>, window_params = [{transform_indices = #map}, {transform_indices = #map}]} {
    %mul3A = arith.constant 2 : i32
    %mul3A_0 = arith.muli %arg1, %mul3A : i32
    %add3A = arith.addi %mul3A_0, %arg0 : i32
    %mul3A_1 = arith.constant 256 : i32
    %mul3A_2 = arith.muli %add3A, %mul3A_1 : i32
    %iota3A = tpu.iota {dimensions = array<i32: 0>} : vector<16xi32>
    %scan3A = arith.constant 0 : i32
    %scan3A_3 = arith.constant 0 : i32
    %scan3A_4 = arith.constant 16 : i32
    %scan3A_5 = arith.addi %scan3A_3, %scan3A_4 : i32
    %scan3A_6 = arith.constant 1 : i32
    %scan3A_7 = scf.for %scan3A_9 = %scan3A_3 to %scan3A_5 step %scan3A_6 iter_args(%scan3A_10 = %scan3A) -> (i32)  : i32 {
      %broadcast_in_dim3A = arith.constant 0.000000e+00 : f32
      %broadcast_in_dim3A_11 = vector.broadcast %broadcast_in_dim3A : f32 to vector<16xf32>
      %mul3A_12 = arith.constant 16 : i32
      %mul3A_13 = arith.muli %scan3A_9, %mul3A_12 : i32
      %swap3A = arith.index_cast %mul3A_13 : i32 to index
      %swap3A_14 = tpu.vector_load %arg5[%swap3A] {strides = array<i32>} : memref<256xf32, #tpu.memory_space<vmem>>, vector<16xf32>,
      tpu.vector_store %arg5[%swap3A], %broadcast_in_dim3A_11 {strides = array<i32>} : memref<256xf32, #tpu.memory_space<vmem>>, vector<16xf32>,
      %scan3A_15 = arith.constant 0 : i32
      scf.yield %scan3A_15 : i32
    }
    %scan3A_8 = arith.constant 16 : i32
    "tpu.region"() ({
      %run_scoped3A = tpu.sem_alloc : memref<!tpu.dma_semaphore, #tpu.memory_space<semaphore_mem>>
      %dma_start3A = tpu.memref_slice %arg3[%mul3A_2] : memref<8192xf32, #tpu.memory_space<hbm>> -> memref<256xf32, #tpu.memory_space<hbm>>
      %dma_start3A_9 = tpu.memref_slice %arg3[%mul3A_2] : memref<8192xf32, #tpu.memory_space<hbm>> -> memref<256xf32, #tpu.memory_space<hbm>>
      tpu.enqueue_dma source(%arg5 : memref<256xf32, #tpu.memory_space<vmem>>) target(%dma_start3A_9 : memref<256xf32, #tpu.memory_space<hbm>>) target_semaphore(%run_scoped3A : memref<!tpu.dma_semaphore, #tpu.memory_space<semaphore_mem>>)
      %dma_wait3A = tpu.memref_slice %arg3[%mul3A_2] : memref<8192xf32, #tpu.memory_space<hbm>> -> memref<256xf32, #tpu.memory_space<hbm>>
      %dma_wait3A_10 = tpu.memref_slice %arg3[%mul3A_2] : memref<8192xf32, #tpu.memory_space<hbm>> -> memref<256xf32, #tpu.memory_space<hbm>>
      tpu.wait_dma2 semaphore(%run_scoped3A : memref<!tpu.dma_semaphore, #tpu.memory_space<semaphore_mem>>) src(%arg5 : memref<256xf32, #tpu.memory_space<vmem>>) dst(%dma_wait3A_10 : memref<256xf32, #tpu.memory_space<hbm>>)
      tpu.yield
    }) : () -> ()
    return
  }
}

module attributes {stable_mosaic.version = 14 : i64} {
  func.func @_sum_kernel(%arg0: memref<8192x1xf32, #tpu.memory_space<vmem>>, %arg1: memref<1x1xf32, #tpu.memory_space<smem>>) attributes {dimension_semantics = [], scalar_prefetch = 0 : i64, scratch_operands = 0 : i64, tpu.core_type = #tpu.core_type<tc>} {
    %get3A = arith.constant 0 : index
    %get3A_0 = arith.constant 0 : index
    %get3A_1 = vector.load %arg0[%get3A, %get3A_0] : memref<8192x1xf32, #tpu.memory_space<vmem>>, vector<8192x1xf32>
    %reduce_sum3A = vector.shape_cast %get3A_1 : vector<8192x1xf32> to vector<1x8192x1xf32>
    %reduce_sum3A_2 = arith.constant dense<0.000000e+00> : vector<1xf32>
    %reduce_sum3A_3 = vector.multi_reduction <add>, %reduce_sum3A, %reduce_sum3A_2 [1, 2] : vector<1x8192x1xf32> to vector<1xf32>
    %reduce_sum3A_4 = vector.shape_cast %reduce_sum3A_3 : vector<1xf32> to vector<1x1x1xf32>
    %reduce_sum3A_5 = vector.extract %reduce_sum3A_4[0, 0, 0] : f32 from vector<1x1x1xf32>
    %swap3A = arith.constant 0 : index
    %swap3A_6 = arith.constant 0 : index
    %swap3A_7 = memref.load %arg1[%swap3A, %swap3A_6] : memref<1x1xf32, #tpu.memory_space<smem>>
    memref.store %reduce_sum3A_5, %arg1[%swap3A, %swap3A_6] : memref<1x1xf32, #tpu.memory_space<smem>>
    return
  }
}

</mosaic_0001>

<sc_bundles>
// kernel: _fastap.4.cloned.1.call-start
scs
__scs_entry_jumppad:
0x0: {  	(pc) =	sbr.rel $0x88, $3  }
0x1: {  	(tag) =	ssettag $0x0;
	lr =	simm.s32 $0x1  }
0x2: {  	[smem:$0x3FA0] =	sst lr;
	_ =	strace $0xD0000000  }
0x3: {  	_ = 	snop  }
0x4: {  	_ = 	snop  }
0x5: {  	_ = 	snop  }
0x6: {  	_ = 	snop  }
0x7: {  	_ = 	snop  }
__scs_overlays_trampoline_lowered:
0x8: {  	[smem:$0x3FAF] =	sst s0  }
0x9: {  	[smem:$0x3FB0] =	sst s1  }
0xa: {  	[smem:$0x3FB1] =	sst s2  }
0xb: {  	[smem:$0x3FB2] =	sst s3  }
0xc: {  	[smem:$0x3FB3] =	sst s4  }
0xd: {  	[smem:$0x3FB4] =	sst s5  }
0xe: {  	[smem:$0x3FB5] =	sst s6  }
0xf: {  	[smem:$0x3FB6] =	sst s7  }
0x10: {  	[smem:$0x3FB7] =	sst s8  }
0x11: {  	[smem:$0x3FB8] =	sst s9;
	s0 =	simm.s32 @!p0 $0x0  }
0x12: {  	s1 =	sld [smem:$0x3F9E];
	s0 =	simm.s32 @p0 $0x1  }
0x13: {  	[smem:$0x3FB9] =	sst s0;
	s0 =	simm.s32 @!p1 $0x0  }
0x14: {  	s2 =	sld [smem:$0x3F9D];
	s0 =	simm.s32 @p1 $0x1  }
0x15: {  	[smem:$0x3FBA] =	sst s0;
	s0 =	simm.s32 @!p2 $0x0  }
0x16: {  	s3 =	sld [smem:$0x3FDB];
	s0 =	simm.s32 @p2 $0x1  }
0x17: {  	s4 =	simm.s32 $0x1BF5;
	[smem:$0x3FBC] =	sst s0  }
0x18: {  	s0 =	sld [smem:$0x3F9F];
	_ =	swait.ge [sflag:s4], $0x0  }
0x19: {  	s7 =	sld [smem:$0x3FA0]  }
0x1a: {  	s8 =	sadd.s32 $0xFFFFE003, lr  }
0x1b: {  	s9 =	sadd.s32 $0xFFFFFEF7, lr;
	s5 =	simm.s32 $0xFFFFFFFF;
	p2 =	slt.u32 s8, $0xFFFFF086  }
0x1c: {  	p1 =	slt.u32 s9, $0xF7A;
	s5 =	simm.s32 @!p2 $0x0  }
0x1d: {  	s5 =	simm.s32 @p1 $0x1;
	p0 =	seq.s32 s7, s2  }
0x1e: {  	s7 =	smul.u32 @!p0 $0xF7A, s2;
	p2 =	seq.s32 @!p0 s5, $0x0  }
0x1f: {  	s9 =	smul.u32 $0xF7A, s1;
	s8 =	simm.s32 @!p0 $0x1BF5;
	p2 =	por !p2, p0  }
0x20: {  	[sflag:s8] =	ssyncset.s32 @!p0 $0xFFFFF086;
	s6 =	sadd.s32 @!p0 s3, s7;
	s7 =	simm.s32 @!p0 $0x108  }
0x21: {  	s3 =	sadd.s32 s3, s9;
	s6 =	sadd.s32 @!p0 $0x88, s6;
	s7 =	simm.s32 @p2 $0x1082  }
0x22: {  	[simem:s7], [sflag:s8] =	dma.local @!p0 [hbm:s6], $0xF7A  }
0x23: {  	s9 =	sor.u32 $0xD0000000, s2;
	s6 =	simm.s32 $0x108;
	_ =	swait.ge @!p0 [sflag:s8], $0x0  }
0x24: {  	s3 =	sadd.s32 $0x88, s3;
	s6 =	simm.s32 @!p1 $0x1082;
	[sflag:s4] =	ssyncset.s32 $0xFFFFF086  }
0x25: {  	[simem:s6], [sflag:s4] =	dma.local [hbm:s3], $0xF7A  }
0x26: {  	[smem:$0x3FA0] =	sst s1;
	(tag) =	ssettag s2;
	_ =	strace s9  }
0x27: {  	s1 =	sld [smem:$0x3FB0]  }
0x28: {  	s2 =	sld [smem:$0x3FB1]  }
0x29: {  	s4 =	sld [smem:$0x3FB3]  }
0x2a: {  	p0 =	seq.s32 s5, $0x0;
	s5 =	sld [smem:$0x3FB4]  }
0x2b: {  	s6 =	sld [smem:$0x3FB5]  }
0x2c: {  	s7 =	sld [smem:$0x3FB6]  }
0x2d: {  	s3 =	simm.s32 $0x108;
	s8 =	sld [smem:$0x3FB7]  }
0x2e: {  	s3 =	simm.s32 @!p0 $0x1082;
	s9 =	sld [smem:$0x3FB8]  }
0x2f: {  	lr =	sadd.s32 s0, s3;
	s0 =	sld [smem:$0x3FAF]  }
0x30: {  	s3 =	sld [smem:$0x3FB2]  }
0x31: {  	[smem:$0x3FBB] =	sst s10  }
0x32: {  	s10 =	sld [smem:$0x3FB9];
	_ =	sdelay $0x3  }
0x33: {  	p0 =	seq.s32 s10, $0x1;
	s10 =	sld [smem:$0x3FBB];
	_ =	sdelay $0x3  }
0x34: {  	[smem:$0x3FBB] =	sst s10  }
0x35: {  	s10 =	sld [smem:$0x3FBA];
	_ =	sdelay $0x3  }
0x36: {  	p1 =	seq.s32 s10, $0x1;
	s10 =	sld [smem:$0x3FBB];
	_ =	sdelay $0x3  }
0x37: {  	[smem:$0x3FBB] =	sst s10  }
0x38: {  	s10 =	sld [smem:$0x3FBC]  }
0x39: {  	_ = 	snop;
	(pc) =	sbr.ind lr, $3  }
0x3a: {  	_ = 	snop  }
0x3b: {  	_ = 	snop  }
0x3c: {  	p2 =	seq.s32 s10, $0x1;
	s10 =	sld [smem:$0x3FBB]  }
0x3d: {  	_ =	shalt  }
0x3e: {  	_ =	shalt  }
0x3f: {  	_ =	shalt  }
0x40: {  	_ =	shalt  }
0x41: {  	_ =	shalt  }
0x42: {  	_ =	shalt  }
0x43: {  	_ =	shalt  }
0x44: {  	_ =	shalt  }
0x45: {  	_ =	shalt  }
0x46: {  	_ =	shalt  }
0x47: {  	_ =	shalt  }
0x48: {  	_ =	shalt  }
0x49: {  	_ =	shalt  }
0x4a: {  	_ =	shalt  }
0x4b: {  	_ =	shalt  }
0x4c: {  	_ =	shalt  }
0x4d: {  	_ =	shalt  }
0x4e: {  	_ =	shalt  }
0x4f: {  	_ =	shalt  }
0x50: {  	_ =	shalt  }
0x51: {  	_ =	shalt  }
0x52: {  	_ =	shalt  }
0x53: {  	_ =	shalt  }
0x54: {  	_ =	shalt  }
0x55: {  	_ =	shalt  }
0x56: {  	_ =	shalt  }
0x57: {  	_ =	shalt  }
0x58: {  	_ =	shalt  }
0x59: {  	_ =	shalt  }
0x5a: {  	_ =	shalt  }
0x5b: {  	_ =	shalt  }
0x5c: {  	_ =	shalt  }
0x5d: {  	_ =	shalt  }
0x5e: {  	_ =	shalt  }
0x5f: {  	_ =	shalt  }
0x60: {  	_ =	shalt  }
0x61: {  	_ =	shalt  }
0x62: {  	_ =	shalt  }
0x63: {  	_ =	shalt  }
0x64: {  	_ =	shalt  }
0x65: {  	_ =	shalt  }
0x66: {  	_ =	shalt  }
0x67: {  	_ =	shalt  }
0x68: {  	_ =	shalt  }
0x69: {  	_ =	shalt  }
0x6a: {  	_ =	shalt  }
0x6b: {  	_ =	shalt  }
0x6c: {  	_ =	shalt  }
0x6d: {  	_ =	shalt  }
0x6e: {  	_ =	shalt  }
0x6f: {  	_ =	shalt  }
0x70: {  	_ =	shalt  }
0x71: {  	_ =	shalt  }
0x72: {  	_ =	shalt  }
0x73: {  	_ =	shalt  }
0x74: {  	_ =	shalt  }
0x75: {  	_ =	shalt  }
0x76: {  	_ =	shalt  }
0x77: {  	_ =	shalt  }
0x78: {  	_ =	shalt  }
0x79: {  	_ =	shalt  }
0x7a: {  	_ =	shalt  }
0x7b: {  	_ =	shalt  }
0x7c: {  	_ =	shalt  }
0x7d: {  	_ =	shalt  }
0x7e: {  	_ =	shalt  }
0x7f: {  	_ =	shalt  }
0x80: {  	_ =	shalt  }
0x81: {  	_ =	shalt  }
0x82: {  	_ =	shalt  }
0x83: {  	_ =	shalt  }
0x84: {  	_ =	shalt  }
0x85: {  	_ =	shalt  }
0x86: {  	_ =	shalt  }
0x87: {  	_ =	shalt  }
.Lfunc_end0:
.L_simem_size_0:
called_computation_lowered:
.L_overlay_start_0:
0x88: {  	s2 =	sld [smem:$0x3FD9]  }
0x89: {  	s3 =	sld [smem:$0x3FFE];
	_ =	sdelay $0x1  }
0x8a: {  	s1 =	srdreg.scid  }
0x8b: {  	s0 =	sand.u32 $0x1, s1  }
0x8c: {  	s16 =	sshll.u32 s0, $0xA;
	s2 =	sadd.s32 s3, s2  }
0x8d: {  	s2 =	sadd.s32 s2, s16  }
0x8e: {  	[smem:$0x3FC7] =	sst s2  }
0x8f: {  	_ = 	snop  }
0x90: {  	(tm) =	ssettm $0x1  }
0x91: {  	s17 =	sld [smem:$0x3FFB];
	_ =	sdelay $0x3  }
0x92: {  	_ =	strace s17  }
0x93: {  	s2 =	sld [smem:$0x3FFC];
	_ =	sdelay $0x3  }
0x94: {  	_ =	strace s2  }
0x95: {  	s2 =	sld [smem:$0x3FFD];
	_ =	sdelay $0x3  }
0x96: {  	_ =	strace s2  }
0x97: {  	_ =	strace $0x8FFFFFFF  }
0x98: {  	s18 =	sld [smem:$0x3FDB];
	_ =	sdelay $0x1  }
0x99: {  	s19 =	simm.s32 $_scs_section_size  }
0x9a: {  	s4 =	simm.s32 $_size__tile_overlayer_lowered;
	s5 =	simm.s32 $_tile_overlayer_lowered  }
0x9b: {  	s22 =	simm.s32 $0x1BFF;
	s21 =	sshll.u32 s5, $0x1;
	s2 =	sadd.s32 s19, s18  }
0x9c: {  	s6 =	simm.s32 $0x0;
	s20 =	sshll.u32 s4, $0x1;
	s4 =	sadd.s32 s21, s2  }
0x9d: {  	[timem:s6], [sflag:s22] =	dma.local [hbm:s4], s20  }
0x9e: {  	_ =	swait.ge [sflag:s22], s20  }
0x9f: {  	s3 =	ssub.s32 $0x0, s20;
	[sflag:s22] =	ssyncset.done $0x0  }
0xa0: {  	[sflag:s22] =	ssyncadd.s32 s3;
	_ =	sdelay $0x1  }
0xa1: {  	s23 =	simm.s32 $0x1B8B  }
0xa2: {  	_ =	swait.ge [sflag:s23], $0x1  }
0xa3: {  	[sflag:s23] =	ssyncset.done $0x0  }
0xa4: {  	s25 =	simm.s32 $0x1B8E;
	s24 =	sld [smem:$0x3FFE];
	[sflag:s23] =	ssyncadd.s32 $0xFFFFFFFF  }
0xa5: {  	s26 =	simm.s32 $execute0_lowered;
	[smem:$0x3FD2] =	sst s25  }
0xa6: {  	s4 =	sshll.u32 s26, $0x1;
	_ =	strace $0x80000046;
	[dreg:$0x1] =	wrdreg $0xFFFFFFFF  }
0xa7: {  	s28 =	simm.s32 $_size_execute0_lowered;
	s2 =	sadd.s32 s2, s4;
	[dreg:$0x0] =	wrdreg $0x0  }
0xa8: {  	s4 =	sshll.u32 s28, $0x1;
	[dreg:$0x2] =	wrdreg s2  }
0xa9: {  	[dreg:$0x3] =	wrdreg s4  }
0xaa: {  	[dreg:$0x4] =	wrdreg $0xC0  }
0xab: {  	_ =	task [dreg:s6], $0x5FFFF  }
0xac: {  	[dreg:$0x1] =	wrdreg $0xFFFFFFFF  }
0xad: {  	[dreg:$0x0] =	wrdreg $0x60  }
0xae: {  	[dreg:$0x2] =	wrdreg s24  }
0xaf: {  	[dreg:$0x3] =	wrdreg $0x9  }
0xb0: {  	_ =	task.clear_ibuf [dreg:s6], $0x4FFFF;
	_ =	strace $0x90000046  }
0xb1: {  	s29 =	simm.s32 $0x9;
	_ =	strace $0x80000048  }
0xb2: {  	_ =	swait.ge [sflag:s29], $0x1  }
0xb3: {  	[sflag:s29] =	ssyncadd.s32 $0xFFFFFFFF  }
0xb4: {  	_ =	strace $0x90000048  }
0xb5: {  	_ =	sfence  }
0xb6: {  	s30 =	sld [smem:$0x0];
	_ =	sdelay $0x2  }
0xb7: {  	s31 =	sshll.u32 s1, $0xD;
	s1 =	sshrl.u32 s1, $0x2  }
0xb8: {  	s3 =	sand.u32 $0x4000, s31;
	s1 =	sadd.s32 s1, s30  }
0xb9: {  	s0 =	sor.u32 s3, s0;
	s1 =	sshll.u32 s1, $0x11  }
0xba: {  	s0 =	sor.u32 s1, s0  }
0xbb: {  	s0 =	sadd.s32 $0x8F2B, s0  }
0xbc: {  	[sflag:s0] =	ssyncadd.remote.s32 $0x1  }
0xbd: {  	_ =	sfence.sel $0xFFFF  }
0xbe: {  	[dreg:$0x0] =	wrdreg $0xFFFFFFFF;
	(pc) =	sbr.abs _section_cstart, $3  }
0xbf: {  	[dreg:$0x1] =	wrdreg $0xFFFFFFFF  }
0xc0: {  	_ =	task.clear_ibuf [dreg:s6], $0x2FFFF;
	_ =	strace $0x9FFFFFFF  }
0xc1: {  	(tm) =	ssettm $0x7FFFFFFF  }
tec
execute0_lowered:
.L_overlay_start_1:
0x0: {  	(tag) =	ssettag $0x1  }
0x1: {  	s3 =	rddreg [dreg:$0x0];
	s1 =	simm.s32 $0x0  }
0x2: {  	v0 =	vimm.f32 $0.0e+00;
	[smem:$0x7FF] =	sst s1  }
0x3: {  	s0 =	rddreg [dreg:$0x1];
	_ =	strace $0x80000047;
	[tilespmem:$0x0] =	vst v0  }
0x4: {  	[tilespmem:$0xF0] =	vst v0  }
0x5: {  	[tilespmem:$0xE0] =	vst v0  }
0x6: {  	[tilespmem:$0xD0] =	vst v0  }
0x7: {  	[tilespmem:$0xC0] =	vst v0  }
0x8: {  	[tilespmem:$0xB0] =	vst v0  }
0x9: {  	s2 =	srdreg.scid;
	[tilespmem:$0xA0] =	vst v0  }
0xa: {  	s4 =	sand.u32 $0x1, s2;
	[tilespmem:$0x90] =	vst v0  }
0xb: {  	[tilespmem:$0x80] =	vst v0;
	s5 =	sshll.u32 s4, $0x5;
	s4 =	ssub.s32 $0x2, s4  }
0xc: {  	[tilespmem:$0x70] =	vst v0;
	s31 =	sshrl.u32 s4, $0x1  }
0xd: {  	[tilespmem:$0x60] =	vst v0;
	s4 =	ssub.s32 s4, s31  }
0xe: {  	[tilespmem:$0x50] =	vst v0;
	s3 =	sadd.s32 s5, s3;
	s5 =	smax.u32 s4, $0x1  }
0xf: {  	s2 =	stileid.u32;
	[tilespmem:$0x40] =	vst v0;
	p0 =	sne.s32 s5, $0x1  }
.Ltmp0:
0x10: {  	s6 =	sshll.u32 s2, $0x6;
	[tilespmem:$0x30] =	vst v0;
	(pc) =	sbr.rel @!p0 .LBB2_2-.Ltmp0, $4  }
0x11: {  	[tilespmem:$0x20] =	vst v0;
	s3 =	sadd.s32 s6, s3  }
0x12: {  	[tilespmem:$0x10] =	vst v0;
	s3 =	sadd.s32 $0x19400, s3;
	s4 =	simm.s32 $0x1  }
0x13: {  	[hbm4b:s3+s1] =	stream.linear.scatter [tilespmem:s1], [sflag:$0x1], $0x100, $0x38;
	[tilespmem:$0x100] =	vst v63  }
0x14: {  	s5 =	sadd.s32 $0xFFFFFFFF, s5;
	_ =	swait.ge [sflag:s4], $0x100  }
.LBB2_1:
0x15: {  	p0 =	sne.s32 s5, $0x1;
	[sflag:s4] =	ssyncset.done $0x0  }
0x16: {  	[sflag:s4] =	ssyncadd.s32 $0xFFFFFF00  }
0x17: {  	[tilespmem:$0x0] =	vst v0  }
0x18: {  	[tilespmem:$0xF0] =	vst v0  }
0x19: {  	[tilespmem:$0xE0] =	vst v0  }
0x1a: {  	[tilespmem:$0xD0] =	vst v0  }
0x1b: {  	[tilespmem:$0xC0] =	vst v0  }
0x1c: {  	[tilespmem:$0xB0] =	vst v0  }
0x1d: {  	[tilespmem:$0xA0] =	vst v0  }
0x1e: {  	[tilespmem:$0x90] =	vst v0  }
0x1f: {  	[tilespmem:$0x80] =	vst v0  }
0x20: {  	[tilespmem:$0x70] =	vst v0  }
0x21: {  	[tilespmem:$0x60] =	vst v0  }
0x22: {  	[tilespmem:$0x50] =	vst v0  }
.Ltmp1:
0x23: {  	[tilespmem:$0x40] =	vst v0;
	(pc) =	sbr.rel @p0 .LBB2_1-.Ltmp1, $4  }
0x24: {  	[tilespmem:$0x30] =	vst v0  }
0x25: {  	[tilespmem:$0x20] =	vst v0  }
0x26: {  	[tilespmem:$0x10] =	vst v0;
	[hbm4b:s3+s1] =	stream.linear.scatter [tilespmem:s1], [sflag:$0x1], $0x100, $0x38  }
0x27: {  	s5 =	sadd.s32 $0xFFFFFFFF, s5;
	_ =	swait.ge [sflag:s4], $0x100  }
.LBB2_2:
0x28: {  	[sflag:s4] =	ssyncset.done $0x0  }
0x29: {  	[sflag:s4] =	ssyncadd.s32 $0xFFFFFF00  }
0x2a: {  	_ =	sfence.sel $0x180000  }
0x2b: {  	[bflag:$0x0] =	sbarrier.arrive $0xFFFF  }
0x2c: {  	p0 =	sne.s32 s2, $0x0;
	_ =	strace $0x90000047  }
0x2d: {  	s0 =	sadd.s32 @!p0 $0x100000, s0;
	[bflag:$0x2] =	sbarrier.arrive $0xFFFF  }
0x2e: {  	[sflag:s0] =	ssyncadd.tile.s32 @!p0 $0x1;
	_ =	shalt  }
.Lfunc_end2:
_tile_overlayer_lowered:
.L_overlay_start_2:
0x2f: {  	(tag) =	ssettag $0x2  }
0x30: {  	s0 =	rddreg [dreg:$0x0];
	s2 =	stileid.u32  }
0x31: {  	s1 =	rddreg [dreg:$0x1];
	p0 =	sne.s32 s2, $0x0  }
0x32: {  	s3 =	rddreg [dreg:$0x2];
	[bflag:$0x3] =	sbarrier.arrive $0xFFFF;
	s2 =	simm.s32 @!p0 $0x1C01  }
0x33: {  	[timem:s3], [sflag:s2] =	dma.local @!p0 [hbm:s0], s1  }
0x34: {  	s0 =	simm.s32 @!p0 $0x1  }
0x35: {  	_ =	swait.ge @!p0 [sflag:s0], s1  }
0x36: {  	s1 =	ssub.s32 @!p0 $0x0, s1;
	[sflag:s0] =	ssyncset.done @!p0 $0x0  }
0x37: {  	[sflag:s0] =	ssyncadd.s32 @!p0 s1  }
0x38: {  	[bflag:$0x3] =	sbarrier.arrive $0xFFFF  }
0x39: {  	_ =	shalt  }

</sc_bundles>
